<compile_context>
chip_gen: v7x
topology: tpu7x:2x2x1
jax: 0.10.2.dev20260603
libtpu: 0.0.44.dev20260713+nightly
codegen_flags: <defaults>
</compile_context>

<pallas_src>
import functools

import jax
import jax.numpy as jnp
from jax import lax
from jax.experimental import pallas as pl
from jax.experimental.pallas import tpu as pltpu
from jax.experimental.pallas import tpu_sc as plsc

N = 1024
E = 8192
PE = 8
H = 128
LANES = 16
CORES = 2
SUBCORES = 16
ROWS_PER_TILE = N // SUBCORES
E_PER_CORE = E // CORES
GROUPS = E_PER_CORE // LANES


def _sc_build_a(s_hbm, r_hbm, z_hbm, a_hbm, s_v, r_v, acc_v,
                sem_s, sem_r, sem_z):
    c = lax.axis_index("c")
    lo = lax.axis_index("s") * ROWS_PER_TILE

    cp_s = pltpu.async_copy(s_hbm.at[pl.ds(c * E_PER_CORE, E_PER_CORE)],
                            s_v, sem_s)
    cp_r = pltpu.async_copy(r_hbm.at[pl.ds(c * E_PER_CORE, E_PER_CORE)],
                            r_v, sem_r)
    cp_z = pltpu.async_copy(z_hbm, acc_v, sem_z)
    cp_s.wait()
    cp_r.wait()
    cp_z.wait()

    ones = jnp.ones((LANES,), jnp.float32)
    lane = lax.iota(jnp.int32, LANES)

    def edge_body(g, carry):
        rr = r_v[pl.ds(g * LANES, LANES)]
        ss = s_v[pl.ds(g * LANES, LANES)]
        inm = (rr >= lo) & (rr < lo + ROWS_PER_TILE)
        for l in range(LANES):
            plsc.addupdate_scatter(acc_v, [rr - lo, ss], ones,
                                   mask=inm & (lane == l))
        return carry

    lax.fori_loop(0, GROUPS, edge_body, 0)

    pltpu.sync_copy(acc_v, a_hbm.at[c, pl.ds(lo, ROWS_PER_TILE)])


@functools.lru_cache(maxsize=1)
def _build_a():
    return pl.kernel(
        _sc_build_a,
        mesh=plsc.VectorSubcoreMesh(core_axis_name="c", subcore_axis_name="s"),
        out_type=jax.ShapeDtypeStruct((CORES, N, N), jnp.float32),
        scratch_types=[
            pltpu.VMEM((E_PER_CORE,), jnp.int32),
            pltpu.VMEM((E_PER_CORE,), jnp.int32),
            pltpu.VMEM((ROWS_PER_TILE, N), jnp.float32),
            pltpu.SemaphoreType.DMA,
            pltpu.SemaphoreType.DMA,
            pltpu.SemaphoreType.DMA,
        ],
        compiler_params=pltpu.CompilerParams(needs_layout_passes=False),
    )


def _tc_body(a_ref, w_ref, b_ref, out_ref):
    a = a_ref[0] + a_ref[1]
    deg = jnp.sum(a, axis=0)
    m = a * (1.0 / jnp.maximum(deg, 1.0))[None, :]

    def dot(x, y):
        return jnp.dot(x, y, preferred_element_type=jnp.float32)

    bm = dot(m, m)
    dm = dot(m, bm)
    cm = dot(bm, bm)
    ct = cm.T

    row = lax.broadcasted_iota(jnp.int32, (N, N), 0)
    col = lax.broadcasted_iota(jnp.int32, (N, N), 1)
    eyef = jnp.where(row == col, 1.0, 0.0)

    diags = [
        jnp.sum(m * eyef, axis=1),
        jnp.sum(bm * eyef, axis=1),
        jnp.sum(dm * eyef, axis=1),
        jnp.sum(cm * eyef, axis=1),
        jnp.sum(m * ct, axis=1),
        jnp.sum(bm * ct, axis=1),
        jnp.sum(dm * ct, axis=1),
        jnp.sum(cm * ct, axis=1),
    ]
    out = jnp.broadcast_to(b_ref[...], (N, H))
    for k in range(PE):
        out = out + diags[k][:, None] * w_ref[k][None, :]
    out_ref[...] = out


_rw_chain = pl.pallas_call(
    _tc_body,
    out_shape=jax.ShapeDtypeStruct((N, H), jnp.float32),
)


@jax.jit
def kernel(nodes, senders, receivers, W, b):
    del nodes
    s32 = senders.astype(jnp.int32)
    r32 = receivers.astype(jnp.int32)
    zeros = jnp.zeros((ROWS_PER_TILE, N), jnp.float32)
    a = _build_a()(s32, r32, zeros)
    return _rw_chain(a, W, b.reshape(1, H))

# --- scband reference (transcript-rebuilt; emitter-appended) ---
"""Pipeline reference for scband-random-walk-positional-encoding-3547642986692 (READ-ONLY COPY).

The authoritative reference and input builder live on the scoring server;
editing this copy changes nothing except your own understanding.
"""

import jax, jax.numpy as jnp
import numpy as np

N_NODES = 1024
N_EDGES = 8192
D_FEAT = 128
PE_DIM = 8
HIDDEN_DIM = 128


def setup_inputs(seed: int = 0) -> dict:
    key = jax.random.key(seed)
    k1, k2, k3, k4 = jax.random.split(key, 4)
    nodes = jax.random.normal(k1, (N_NODES, D_FEAT), dtype=jnp.float32)
    senders = jax.random.randint(k2, (N_EDGES,), 0, N_NODES, dtype=jnp.int64)
    receivers = jax.random.randint(k3, (N_EDGES,), 0, N_NODES, dtype=jnp.int64)
    # Linear layer params (flax convention: kernel [in, out])
    W = jax.random.normal(k4, (PE_DIM, HIDDEN_DIM), dtype=jnp.float32) * (1.0 / np.sqrt(PE_DIM))
    b = jnp.zeros((HIDDEN_DIM,), dtype=jnp.float32)
    return {"nodes": nodes, "senders": senders, "receivers": receivers, "W": W, "b": b}


def reference(nodes, senders, receivers, W, b):
    n_nodes = nodes.shape[0]
    pe_dim = W.shape[0]
    ones = jnp.ones((senders.shape[0],), dtype=jnp.float32)
    degree = jax.ops.segment_sum(ones, senders, num_segments=n_nodes)
    degree = jnp.maximum(degree, 1.0)
    pe_features = []
    current_prob = jnp.eye(n_nodes, dtype=jnp.float32)
    for k in range(pe_dim):
        sender_probs = current_prob[senders]
        normalized = sender_probs / degree[senders, None]
        new_prob = jax.ops.segment_sum(normalized, receivers, num_segments=n_nodes)
        current_prob = new_prob
        pe_features.append(jnp.diag(current_prob))
    pe = jnp.stack(pe_features, axis=-1)
    return pe @ W + b

if __name__ == "__main__":
    import jax
    _d = setup_inputs()
    print(jax.jit(kernel)(*tuple(_d.values())))

</pallas_src>

<mosaic_0001>
#map = affine_map<(d0, d1) -> (0)>
#map1 = affine_map<(d0, d1) -> (0, 0)>
#map2 = affine_map<(d0, d1) -> (0, 0, 0)>
module attributes {stable_mosaic.version = 14 : i64} {
  func.func @_sc_build_a(%arg0: i32, %arg1: i32, %arg2: memref<8192xi32, #tpu.memory_space<hbm>>, %arg3: memref<8192xi32, #tpu.memory_space<hbm>>, %arg4: memref<64x1024xf32, #tpu.memory_space<hbm>>, %arg5: memref<2x1024x1024xf32, #tpu.memory_space<hbm>>, %arg6: memref<4096xi32, #tpu.memory_space<vmem>>, %arg7: memref<4096xi32, #tpu.memory_space<vmem>>, %arg8: memref<64x1024xf32, #tpu.memory_space<vmem>>, %arg9: memref<!tpu.dma_semaphore, #tpu.memory_space<semaphore_mem>>, %arg10: memref<!tpu.dma_semaphore, #tpu.memory_space<semaphore_mem>>, %arg11: memref<!tpu.dma_semaphore, #tpu.memory_space<semaphore_mem>>) attributes {dimension_semantics = [#tpu.dimension_semantics<core_parallel>, #tpu.dimension_semantics<subcore_parallel>], iteration_bounds = array<i64: 2, 16>, scalar_prefetch = 0 : i64, scratch_operands = 6 : i64, tpu.core_type = #tpu.core_type<sc_vector_subcore>, window_params = [{transform_indices = #map}, {transform_indices = #map}, {transform_indices = #map1}, {transform_indices = #map2}]} {
    %mul3A = arith.constant 64 : i32
    %mul3A_0 = arith.muli %arg1, %mul3A : i32
    %mul3A_1 = arith.constant 4096 : i32
    %mul3A_2 = arith.muli %arg0, %mul3A_1 : i32
    %dma_start3A = tpu.memref_slice %arg2[%mul3A_2] : memref<8192xi32, #tpu.memory_space<hbm>> -> memref<4096xi32, #tpu.memory_space<hbm>>
    %dma_start3A_3 = tpu.memref_slice %arg2[%mul3A_2] : memref<8192xi32, #tpu.memory_space<hbm>> -> memref<4096xi32, #tpu.memory_space<hbm>>
    tpu.enqueue_dma source(%dma_start3A_3 : memref<4096xi32, #tpu.memory_space<hbm>>) target(%arg6 : memref<4096xi32, #tpu.memory_space<vmem>>) target_semaphore(%arg9 : memref<!tpu.dma_semaphore, #tpu.memory_space<semaphore_mem>>)
    %mul3A_4 = arith.constant 4096 : i32
    %mul3A_5 = arith.muli %arg0, %mul3A_4 : i32
    %dma_start3A_6 = tpu.memref_slice %arg3[%mul3A_5] : memref<8192xi32, #tpu.memory_space<hbm>> -> memref<4096xi32, #tpu.memory_space<hbm>>
    %dma_start3A_7 = tpu.memref_slice %arg3[%mul3A_5] : memref<8192xi32, #tpu.memory_space<hbm>> -> memref<4096xi32, #tpu.memory_space<hbm>>
    tpu.enqueue_dma source(%dma_start3A_7 : memref<4096xi32, #tpu.memory_space<hbm>>) target(%arg7 : memref<4096xi32, #tpu.memory_space<vmem>>) target_semaphore(%arg10 : memref<!tpu.dma_semaphore, #tpu.memory_space<semaphore_mem>>)
    tpu.enqueue_dma source(%arg4 : memref<64x1024xf32, #tpu.memory_space<hbm>>) target(%arg8 : memref<64x1024xf32, #tpu.memory_space<vmem>>) target_semaphore(%arg11 : memref<!tpu.dma_semaphore, #tpu.memory_space<semaphore_mem>>)
    %dma_wait3A = tpu.memref_slice %arg2[%mul3A_2] : memref<8192xi32, #tpu.memory_space<hbm>> -> memref<4096xi32, #tpu.memory_space<hbm>>
    %dma_wait3A_8 = tpu.memref_slice %arg2[%mul3A_2] : memref<8192xi32, #tpu.memory_space<hbm>> -> memref<4096xi32, #tpu.memory_space<hbm>>
    tpu.wait_dma2 semaphore(%arg9 : memref<!tpu.dma_semaphore, #tpu.memory_space<semaphore_mem>>) src(%dma_wait3A_8 : memref<4096xi32, #tpu.memory_space<hbm>>) dst(%arg6 : memref<4096xi32, #tpu.memory_space<vmem>>)
    %dma_wait3A_9 = tpu.memref_slice %arg3[%mul3A_5] : memref<8192xi32, #tpu.memory_space<hbm>> -> memref<4096xi32, #tpu.memory_space<hbm>>
    %dma_wait3A_10 = tpu.memref_slice %arg3[%mul3A_5] : memref<8192xi32, #tpu.memory_space<hbm>> -> memref<4096xi32, #tpu.memory_space<hbm>>
    tpu.wait_dma2 semaphore(%arg10 : memref<!tpu.dma_semaphore, #tpu.memory_space<semaphore_mem>>) src(%dma_wait3A_10 : memref<4096xi32, #tpu.memory_space<hbm>>) dst(%arg7 : memref<4096xi32, #tpu.memory_space<vmem>>)
    tpu.wait_dma2 semaphore(%arg11 : memref<!tpu.dma_semaphore, #tpu.memory_space<semaphore_mem>>) src(%arg4 : memref<64x1024xf32, #tpu.memory_space<hbm>>) dst(%arg8 : memref<64x1024xf32, #tpu.memory_space<vmem>>)
    %broadcast_in_dim3A = arith.constant 1.000000e+00 : f32
    %broadcast_in_dim3A_11 = vector.broadcast %broadcast_in_dim3A : f32 to vector<16xf32>
    %iota3A = tpu.iota {dimensions = array<i32: 0>} : vector<16xi32>
    %scan3A = arith.constant 0 : i32
    %scan3A_12 = arith.constant 0 : i32
    %scan3A_13 = arith.constant 256 : i32
    %scan3A_14 = arith.addi %scan3A_12, %scan3A_13 : i32
    %scan3A_15 = arith.constant 1 : i32
    scf.for %scan3A_17 = %scan3A_12 to %scan3A_14 step %scan3A_15  : i32 {
      %mul3A_18 = arith.constant 16 : i32
      %mul3A_19 = arith.muli %scan3A_17, %mul3A_18 : i32
      %get3A = arith.index_cast %mul3A_19 : i32 to index
      %get3A_20 = tpu.vector_load %arg7[%get3A] {strides = array<i32>} : memref<4096xi32, #tpu.memory_space<vmem>>, vector<16xi32>,
      %mul3A_21 = arith.constant 16 : i32
      %mul3A_22 = arith.muli %scan3A_17, %mul3A_21 : i32
      %get3A_23 = arith.index_cast %mul3A_22 : i32 to index
      %get3A_24 = tpu.vector_load %arg6[%get3A_23] {strides = array<i32>} : memref<4096xi32, #tpu.memory_space<vmem>>, vector<16xi32>,
      %ge3A = vector.broadcast %mul3A_0 : i32 to vector<16xi32>
      %ge3A_25 = arith.cmpi sge, %get3A_20, %ge3A : vector<16xi32>
      %add3A = arith.constant 64 : i32
      %add3A_26 = arith.addi %mul3A_0, %add3A : i32
      %lt3A = vector.broadcast %add3A_26 : i32 to vector<16xi32>
      %lt3A_27 = arith.cmpi slt, %get3A_20, %lt3A : vector<16xi32>
      %and3A = arith.andi %ge3A_25, %lt3A_27 : vector<16xi1>
      %sub3A = vector.broadcast %mul3A_0 : i32 to vector<16xi32>
      %sub3A_28 = arith.subi %get3A_20, %sub3A : vector<16xi32>
      %eq3A = arith.constant 0 : i32
      %eq3A_29 = vector.broadcast %eq3A : i32 to vector<16xi32>
      %eq3A_30 = arith.cmpi eq, %iota3A, %eq3A_29 : vector<16xi32>
      %and3A_31 = arith.andi %and3A, %eq3A_30 : vector<16xi1>
      tpu.vector_store_idx %arg8[%sub3A_28, %get3A_24], %broadcast_in_dim3A_11 masked %and3A_31 {add = true} : memref<64x1024xf32, #tpu.memory_space<vmem>>[vector<16xi32>, vector<16xi32>], vector<16xf32>, vector<16xi1>
      %sub3A_32 = vector.broadcast %mul3A_0 : i32 to vector<16xi32>
      %sub3A_33 = arith.subi %get3A_20, %sub3A_32 : vector<16xi32>
      %eq3A_34 = arith.constant 1 : i32
      %eq3A_35 = vector.broadcast %eq3A_34 : i32 to vector<16xi32>
      %eq3A_36 = arith.cmpi eq, %iota3A, %eq3A_35 : vector<16xi32>
      %and3A_37 = arith.andi %and3A, %eq3A_36 : vector<16xi1>
      tpu.vector_store_idx %arg8[%sub3A_33, %get3A_24], %broadcast_in_dim3A_11 masked %and3A_37 {add = true} : memref<64x1024xf32, #tpu.memory_space<vmem>>[vector<16xi32>, vector<16xi32>], vector<16xf32>, vector<16xi1>
      %sub3A_38 = vector.broadcast %mul3A_0 : i32 to vector<16xi32>
      %sub3A_39 = arith.subi %get3A_20, %sub3A_38 : vector<16xi32>
      %eq3A_40 = arith.constant 2 : i32
      %eq3A_41 = vector.broadcast %eq3A_40 : i32 to vector<16xi32>
      %eq3A_42 = arith.cmpi eq, %iota3A, %eq3A_41 : vector<16xi32>
      %and3A_43 = arith.andi %and3A, %eq3A_42 : vector<16xi1>
      tpu.vector_store_idx %arg8[%sub3A_39, %get3A_24], %broadcast_in_dim3A_11 masked %and3A_43 {add = true} : memref<64x1024xf32, #tpu.memory_space<vmem>>[vector<16xi32>, vector<16xi32>], vector<16xf32>, vector<16xi1>
      %sub3A_44 = vector.broadcast %mul3A_0 : i32 to vector<16xi32>
      %sub3A_45 = arith.subi %get3A_20, %sub3A_44 : vector<16xi32>
      %eq3A_46 = arith.constant 3 : i32
      %eq3A_47 = vector.broadcast %eq3A_46 : i32 to vector<16xi32>
      %eq3A_48 = arith.cmpi eq, %iota3A, %eq3A_47 : vector<16xi32>
      %and3A_49 = arith.andi %and3A, %eq3A_48 : vector<16xi1>
      tpu.vector_store_idx %arg8[%sub3A_45, %get3A_24], %broadcast_in_dim3A_11 masked %and3A_49 {add = true} : memref<64x1024xf32, #tpu.memory_space<vmem>>[vector<16xi32>, vector<16xi32>], vector<16xf32>, vector<16xi1>
      %sub3A_50 = vector.broadcast %mul3A_0 : i32 to vector<16xi32>
      %sub3A_51 = arith.subi %get3A_20, %sub3A_50 : vector<16xi32>
      %eq3A_52 = arith.constant 4 : i32
      %eq3A_53 = vector.broadcast %eq3A_52 : i32 to vector<16xi32>
      %eq3A_54 = arith.cmpi eq, %iota3A, %eq3A_53 : vector<16xi32>
      %and3A_55 = arith.andi %and3A, %eq3A_54 : vector<16xi1>
      tpu.vector_store_idx %arg8[%sub3A_51, %get3A_24], %broadcast_in_dim3A_11 masked %and3A_55 {add = true} : memref<64x1024xf32, #tpu.memory_space<vmem>>[vector<16xi32>, vector<16xi32>], vector<16xf32>, vector<16xi1>
      %sub3A_56 = vector.broadcast %mul3A_0 : i32 to vector<16xi32>
      %sub3A_57 = arith.subi %get3A_20, %sub3A_56 : vector<16xi32>
      %eq3A_58 = arith.constant 5 : i32
      %eq3A_59 = vector.broadcast %eq3A_58 : i32 to vector<16xi32>
      %eq3A_60 = arith.cmpi eq, %iota3A, %eq3A_59 : vector<16xi32>
      %and3A_61 = arith.andi %and3A, %eq3A_60 : vector<16xi1>
      tpu.vector_store_idx %arg8[%sub3A_57, %get3A_24], %broadcast_in_dim3A_11 masked %and3A_61 {add = true} : memref<64x1024xf32, #tpu.memory_space<vmem>>[vector<16xi32>, vector<16xi32>], vector<16xf32>, vector<16xi1>
      %sub3A_62 = vector.broadcast %mul3A_0 : i32 to vector<16xi32>
      %sub3A_63 = arith.subi %get3A_20, %sub3A_62 : vector<16xi32>
      %eq3A_64 = arith.constant 6 : i32
      %eq3A_65 = vector.broadcast %eq3A_64 : i32 to vector<16xi32>
      %eq3A_66 = arith.cmpi eq, %iota3A, %eq3A_65 : vector<16xi32>
      %and3A_67 = arith.andi %and3A, %eq3A_66 : vector<16xi1>
      tpu.vector_store_idx %arg8[%sub3A_63, %get3A_24], %broadcast_in_dim3A_11 masked %and3A_67 {add = true} : memref<64x1024xf32, #tpu.memory_space<vmem>>[vector<16xi32>, vector<16xi32>], vector<16xf32>, vector<16xi1>
      %sub3A_68 = vector.broadcast %mul3A_0 : i32 to vector<16xi32>
      %sub3A_69 = arith.subi %get3A_20, %sub3A_68 : vector<16xi32>
      %eq3A_70 = arith.constant 7 : i32
      %eq3A_71 = vector.broadcast %eq3A_70 : i32 to vector<16xi32>
      %eq3A_72 = arith.cmpi eq, %iota3A, %eq3A_71 : vector<16xi32>
      %and3A_73 = arith.andi %and3A, %eq3A_72 : vector<16xi1>
      tpu.vector_store_idx %arg8[%sub3A_69, %get3A_24], %broadcast_in_dim3A_11 masked %and3A_73 {add = true} : memref<64x1024xf32, #tpu.memory_space<vmem>>[vector<16xi32>, vector<16xi32>], vector<16xf32>, vector<16xi1>
      %sub3A_74 = vector.broadcast %mul3A_0 : i32 to vector<16xi32>
      %sub3A_75 = arith.subi %get3A_20, %sub3A_74 : vector<16xi32>
      %eq3A_76 = arith.constant 8 : i32
      %eq3A_77 = vector.broadcast %eq3A_76 : i32 to vector<16xi32>
      %eq3A_78 = arith.cmpi eq, %iota3A, %eq3A_77 : vector<16xi32>
      %and3A_79 = arith.andi %and3A, %eq3A_78 : vector<16xi1>
      tpu.vector_store_idx %arg8[%sub3A_75, %get3A_24], %broadcast_in_dim3A_11 masked %and3A_79 {add = true} : memref<64x1024xf32, #tpu.memory_space<vmem>>[vector<16xi32>, vector<16xi32>], vector<16xf32>, vector<16xi1>
      %sub3A_80 = vector.broadcast %mul3A_0 : i32 to vector<16xi32>
      %sub3A_81 = arith.subi %get3A_20, %sub3A_80 : vector<16xi32>
      %eq3A_82 = arith.constant 9 : i32
      %eq3A_83 = vector.broadcast %eq3A_82 : i32 to vector<16xi32>
      %eq3A_84 = arith.cmpi eq, %iota3A, %eq3A_83 : vector<16xi32>
      %and3A_85 = arith.andi %and3A, %eq3A_84 : vector<16xi1>
      tpu.vector_store_idx %arg8[%sub3A_81, %get3A_24], %broadcast_in_dim3A_11 masked %and3A_85 {add = true} : memref<64x1024xf32, #tpu.memory_space<vmem>>[vector<16xi32>, vector<16xi32>], vector<16xf32>, vector<16xi1>
      %sub3A_86 = vector.broadcast %mul3A_0 : i32 to vector<16xi32>
      %sub3A_87 = arith.subi %get3A_20, %sub3A_86 : vector<16xi32>
      %eq3A_88 = arith.constant 10 : i32
      %eq3A_89 = vector.broadcast %eq3A_88 : i32 to vector<16xi32>
      %eq3A_90 = arith.cmpi eq, %iota3A, %eq3A_89 : vector<16xi32>
      %and3A_91 = arith.andi %and3A, %eq3A_90 : vector<16xi1>
      tpu.vector_store_idx %arg8[%sub3A_87, %get3A_24], %broadcast_in_dim3A_11 masked %and3A_91 {add = true} : memref<64x1024xf32, #tpu.memory_space<vmem>>[vector<16xi32>, vector<16xi32>], vector<16xf32>, vector<16xi1>
      %sub3A_92 = vector.broadcast %mul3A_0 : i32 to vector<16xi32>
      %sub3A_93 = arith.subi %get3A_20, %sub3A_92 : vector<16xi32>
      %eq3A_94 = arith.constant 11 : i32
      %eq3A_95 = vector.broadcast %eq3A_94 : i32 to vector<16xi32>
      %eq3A_96 = arith.cmpi eq, %iota3A, %eq3A_95 : vector<16xi32>
      %and3A_97 = arith.andi %and3A, %eq3A_96 : vector<16xi1>
      tpu.vector_store_idx %arg8[%sub3A_93, %get3A_24], %broadcast_in_dim3A_11 masked %and3A_97 {add = true} : memref<64x1024xf32, #tpu.memory_space<vmem>>[vector<16xi32>, vector<16xi32>], vector<16xf32>, vector<16xi1>
      %sub3A_98 = vector.broadcast %mul3A_0 : i32 to vector<16xi32>
      %sub3A_99 = arith.subi %get3A_20, %sub3A_98 : vector<16xi32>
      %eq3A_100 = arith.constant 12 : i32
      %eq3A_101 = vector.broadcast %eq3A_100 : i32 to vector<16xi32>
      %eq3A_102 = arith.cmpi eq, %iota3A, %eq3A_101 : vector<16xi32>
      %and3A_103 = arith.andi %and3A, %eq3A_102 : vector<16xi1>
      tpu.vector_store_idx %arg8[%sub3A_99, %get3A_24], %broadcast_in_dim3A_11 masked %and3A_103 {add = true} : memref<64x1024xf32, #tpu.memory_space<vmem>>[vector<16xi32>, vector<16xi32>], vector<16xf32>, vector<16xi1>
      %sub3A_104 = vector.broadcast %mul3A_0 : i32 to vector<16xi32>
      %sub3A_105 = arith.subi %get3A_20, %sub3A_104 : vector<16xi32>
      %eq3A_106 = arith.constant 13 : i32
      %eq3A_107 = vector.broadcast %eq3A_106 : i32 to vector<16xi32>
      %eq3A_108 = arith.cmpi eq, %iota3A, %eq3A_107 : vector<16xi32>
      %and3A_109 = arith.andi %and3A, %eq3A_108 : vector<16xi1>
      tpu.vector_store_idx %arg8[%sub3A_105, %get3A_24], %broadcast_in_dim3A_11 masked %and3A_109 {add = true} : memref<64x1024xf32, #tpu.memory_space<vmem>>[vector<16xi32>, vector<16xi32>], vector<16xf32>, vector<16xi1>
      %sub3A_110 = vector.broadcast %mul3A_0 : i32 to vector<16xi32>
      %sub3A_111 = arith.subi %get3A_20, %sub3A_110 : vector<16xi32>
      %eq3A_112 = arith.constant 14 : i32
      %eq3A_113 = vector.broadcast %eq3A_112 : i32 to vector<16xi32>
      %eq3A_114 = arith.cmpi eq, %iota3A, %eq3A_113 : vector<16xi32>
      %and3A_115 = arith.andi %and3A, %eq3A_114 : vector<16xi1>
      tpu.vector_store_idx %arg8[%sub3A_111, %get3A_24], %broadcast_in_dim3A_11 masked %and3A_115 {add = true} : memref<64x1024xf32, #tpu.memory_space<vmem>>[vector<16xi32>, vector<16xi32>], vector<16xf32>, vector<16xi1>
      %sub3A_116 = vector.broadcast %mul3A_0 : i32 to vector<16xi32>
      %sub3A_117 = arith.subi %get3A_20, %sub3A_116 : vector<16xi32>
      %eq3A_118 = arith.constant 15 : i32
      %eq3A_119 = vector.broadcast %eq3A_118 : i32 to vector<16xi32>
      %eq3A_120 = arith.cmpi eq, %iota3A, %eq3A_119 : vector<16xi32>
      %and3A_121 = arith.andi %and3A, %eq3A_120 : vector<16xi1>
      tpu.vector_store_idx %arg8[%sub3A_117, %get3A_24], %broadcast_in_dim3A_11 masked %and3A_121 {add = true} : memref<64x1024xf32, #tpu.memory_space<vmem>>[vector<16xi32>, vector<16xi32>], vector<16xf32>, vector<16xi1>
    }
    %scan3A_16 = arith.constant 256 : i32
    "tpu.region"() ({
      %run_scoped3A = tpu.sem_alloc : memref<!tpu.dma_semaphore, #tpu.memory_space<semaphore_mem>>
      %dma_start3A_17 = arith.constant 0 : i32
      %dma_start3A_18 = tpu.memref_slice %arg5[%arg0, %mul3A_0, %dma_start3A_17] : memref<2x1024x1024xf32, #tpu.memory_space<hbm>> -> memref<1x64x1024xf32, #tpu.memory_space<hbm>>
      %dma_start3A_19 = tpu.memref_squeeze %dma_start3A_18 : memref<1x64x1024xf32, #tpu.memory_space<hbm>> -> memref<64x1024xf32, #tpu.memory_space<hbm>>
      %dma_start3A_20 = arith.constant 0 : i32
      %dma_start3A_21 = tpu.memref_slice %arg5[%arg0, %mul3A_0, %dma_start3A_20] : memref<2x1024x1024xf32, #tpu.memory_space<hbm>> -> memref<1x64x1024xf32, #tpu.memory_space<hbm>>
      %dma_start3A_22 = tpu.memref_squeeze %dma_start3A_21 : memref<1x64x1024xf32, #tpu.memory_space<hbm>> -> memref<64x1024xf32, #tpu.memory_space<hbm>>
      tpu.enqueue_dma source(%arg8 : memref<64x1024xf32, #tpu.memory_space<vmem>>) target(%dma_start3A_22 : memref<64x1024xf32, #tpu.memory_space<hbm>>) target_semaphore(%run_scoped3A : memref<!tpu.dma_semaphore, #tpu.memory_space<semaphore_mem>>)
      %dma_wait3A_23 = arith.constant 0 : i32
      %dma_wait3A_24 = tpu.memref_slice %arg5[%arg0, %mul3A_0, %dma_wait3A_23] : memref<2x1024x1024xf32, #tpu.memory_space<hbm>> -> memref<1x64x1024xf32, #tpu.memory_space<hbm>>
      %dma_wait3A_25 = tpu.memref_squeeze %dma_wait3A_24 : memref<1x64x1024xf32, #tpu.memory_space<hbm>> -> memref<64x1024xf32, #tpu.memory_space<hbm>>
      %dma_wait3A_26 = arith.constant 0 : i32
      %dma_wait3A_27 = tpu.memref_slice %arg5[%arg0, %mul3A_0, %dma_wait3A_26] : memref<2x1024x1024xf32, #tpu.memory_space<hbm>> -> memref<1x64x1024xf32, #tpu.memory_space<hbm>>
      %dma_wait3A_28 = tpu.memref_squeeze %dma_wait3A_27 : memref<1x64x1024xf32, #tpu.memory_space<hbm>> -> memref<64x1024xf32, #tpu.memory_space<hbm>>
      tpu.wait_dma2 semaphore(%run_scoped3A : memref<!tpu.dma_semaphore, #tpu.memory_space<semaphore_mem>>) src(%arg8 : memref<64x1024xf32, #tpu.memory_space<vmem>>) dst(%dma_wait3A_28 : memref<64x1024xf32, #tpu.memory_space<hbm>>)
      tpu.yield
    }) : () -> ()
    return
  }
}

module attributes {stable_mosaic.version = 14 : i64} {
  func.func @_tc_body(%arg0: memref<2x1024x1024xf32, #tpu.memory_space<vmem>>, %arg1: memref<8x128xf32, #tpu.memory_space<vmem>>, %arg2: memref<1x128xf32, #tpu.memory_space<vmem>>, %arg3: memref<1024x128xf32, #tpu.memory_space<vmem>>) attributes {dimension_semantics = [], scalar_prefetch = 0 : i64, scratch_operands = 0 : i64, tpu.core_type = #tpu.core_type<tc>} {
    %get3A = arith.constant 0 : index
    %get3A_0 = arith.constant 0 : index
    %get3A_1 = arith.constant 0 : index
    %get3A_2 = vector.load %arg0[%get3A, %get3A_0, %get3A_1] : memref<2x1024x1024xf32, #tpu.memory_space<vmem>>, vector<1x1024x1024xf32>
    %get3A_3 = vector.shape_cast %get3A_2 : vector<1x1024x1024xf32> to vector<1024x1024xf32>
    %get3A_4 = arith.constant 1 : index
    %get3A_5 = arith.constant 0 : index
    %get3A_6 = arith.constant 0 : index
    %get3A_7 = vector.load %arg0[%get3A_4, %get3A_5, %get3A_6] : memref<2x1024x1024xf32, #tpu.memory_space<vmem>>, vector<1x1024x1024xf32>
    %get3A_8 = vector.shape_cast %get3A_7 : vector<1x1024x1024xf32> to vector<1024x1024xf32>
    %add3A = arith.addf %get3A_3, %get3A_8 : vector<1024x1024xf32>
    %reduce_sum3A = arith.constant dense<0.000000e+00> : vector<1024xf32>
    %reduce_sum3A_9 = vector.multi_reduction <add>, %add3A, %reduce_sum3A [0] : vector<1024x1024xf32> to vector<1024xf32>
    %max3A = arith.constant 1.000000e+00 : f32
    %max3A_10 = vector.broadcast %max3A : f32 to vector<1024xf32>
    %max3A_11 = arith.maximumf %reduce_sum3A_9, %max3A_10 : vector<1024xf32>
    %div3A = arith.constant 1.000000e+00 : f32
    %div3A_12 = vector.broadcast %div3A : f32 to vector<1024xf32>
    %div3A_13 = arith.divf %div3A_12, %max3A_11 : vector<1024xf32>
    %broadcast_in_dim3A = vector.shape_cast %div3A_13 : vector<1024xf32> to vector<1x1024xf32>
    %mul3A = vector.broadcast %broadcast_in_dim3A : vector<1x1024xf32> to vector<1024x1024xf32>
    %mul3A_14 = arith.mulf %add3A, %mul3A : vector<1024x1024xf32>
    %dot_general3A = arith.constant dense<0.000000e+00> : vector<1024x1024xf32>
    %dot_general3A_15 = tpu.matmul %mul3A_14, %mul3A_14, %dot_general3A {dimension_numbers = #tpu.dot_dimension_numbers<[1], [0], [0], [1], [0, 0, 1, 1], [], []>, transpose_lhs_hint = false} : vector<1024x1024xf32>, vector<1024x1024xf32>, vector<1024x1024xf32> -> vector<1024x1024xf32>
    %dot_general3A_16 = arith.constant dense<0.000000e+00> : vector<1024x1024xf32>
    %dot_general3A_17 = tpu.matmul %mul3A_14, %dot_general3A_15, %dot_general3A_16 {dimension_numbers = #tpu.dot_dimension_numbers<[1], [0], [0], [1], [0, 0, 1, 1], [], []>, transpose_lhs_hint = false} : vector<1024x1024xf32>, vector<1024x1024xf32>, vector<1024x1024xf32> -> vector<1024x1024xf32>
    %dot_general3A_18 = arith.constant dense<0.000000e+00> : vector<1024x1024xf32>
    %dot_general3A_19 = tpu.matmul %dot_general3A_15, %dot_general3A_15, %dot_general3A_18 {dimension_numbers = #tpu.dot_dimension_numbers<[1], [0], [0], [1], [0, 0, 1, 1], [], []>, transpose_lhs_hint = false} : vector<1024x1024xf32>, vector<1024x1024xf32>, vector<1024x1024xf32> -> vector<1024x1024xf32>
    %transpose3A = tpu.transpose %dot_general3A_19, [1, 0] : vector<1024x1024xf32> -> vector<1024x1024xf32>
    %iota3A = tpu.iota {dimensions = array<i32: 0>} : vector<1024x1024xi32>
    %iota3A_20 = tpu.iota {dimensions = array<i32: 1>} : vector<1024x1024xi32>
    %eq3A = arith.cmpi eq, %iota3A, %iota3A_20 : vector<1024x1024xi32>
    %jit3A = arith.constant 1.000000e+00 : f32
    %jit3A_21 = arith.constant 0.000000e+00 : f32
    %broadcast_in_dim3A_22 = vector.broadcast %jit3A : f32 to vector<1024x1024xf32>
    %broadcast_in_dim3A_23 = vector.broadcast %jit3A_21 : f32 to vector<1024x1024xf32>
    %select_n3A = arith.select %eq3A, %broadcast_in_dim3A_22, %broadcast_in_dim3A_23 : vector<1024x1024xi1>, vector<1024x1024xf32>
    %mul3A_24 = arith.mulf %mul3A_14, %select_n3A : vector<1024x1024xf32>
    %reduce_sum3A_25 = arith.constant dense<0.000000e+00> : vector<1024xf32>
    %reduce_sum3A_26 = vector.multi_reduction <add>, %mul3A_24, %reduce_sum3A_25 [1] : vector<1024x1024xf32> to vector<1024xf32>
    %mul3A_27 = arith.mulf %dot_general3A_15, %select_n3A : vector<1024x1024xf32>
    %reduce_sum3A_28 = arith.constant dense<0.000000e+00> : vector<1024xf32>
    %reduce_sum3A_29 = vector.multi_reduction <add>, %mul3A_27, %reduce_sum3A_28 [1] : vector<1024x1024xf32> to vector<1024xf32>
    %mul3A_30 = arith.mulf %dot_general3A_17, %select_n3A : vector<1024x1024xf32>
    %reduce_sum3A_31 = arith.constant dense<0.000000e+00> : vector<1024xf32>
    %reduce_sum3A_32 = vector.multi_reduction <add>, %mul3A_30, %reduce_sum3A_31 [1] : vector<1024x1024xf32> to vector<1024xf32>
    %mul3A_33 = arith.mulf %dot_general3A_19, %select_n3A : vector<1024x1024xf32>
    %reduce_sum3A_34 = arith.constant dense<0.000000e+00> : vector<1024xf32>
    %reduce_sum3A_35 = vector.multi_reduction <add>, %mul3A_33, %reduce_sum3A_34 [1] : vector<1024x1024xf32> to vector<1024xf32>
    %mul3A_36 = arith.mulf %mul3A_14, %transpose3A : vector<1024x1024xf32>
    %reduce_sum3A_37 = arith.constant dense<0.000000e+00> : vector<1024xf32>
    %reduce_sum3A_38 = vector.multi_reduction <add>, %mul3A_36, %reduce_sum3A_37 [1] : vector<1024x1024xf32> to vector<1024xf32>
    %mul3A_39 = arith.mulf %dot_general3A_15, %transpose3A : vector<1024x1024xf32>
    %reduce_sum3A_40 = arith.constant dense<0.000000e+00> : vector<1024xf32>
    %reduce_sum3A_41 = vector.multi_reduction <add>, %mul3A_39, %reduce_sum3A_40 [1] : vector<1024x1024xf32> to vector<1024xf32>
    %mul3A_42 = arith.mulf %dot_general3A_17, %transpose3A : vector<1024x1024xf32>
    %reduce_sum3A_43 = arith.constant dense<0.000000e+00> : vector<1024xf32>
    %reduce_sum3A_44 = vector.multi_reduction <add>, %mul3A_42, %reduce_sum3A_43 [1] : vector<1024x1024xf32> to vector<1024xf32>
    %mul3A_45 = arith.mulf %dot_general3A_19, %transpose3A : vector<1024x1024xf32>
    %reduce_sum3A_46 = arith.constant dense<0.000000e+00> : vector<1024xf32>
    %reduce_sum3A_47 = vector.multi_reduction <add>, %mul3A_45, %reduce_sum3A_46 [1] : vector<1024x1024xf32> to vector<1024xf32>
    %get3A_48 = arith.constant 0 : index
    %get3A_49 = arith.constant 0 : index
    %get3A_50 = vector.load %arg2[%get3A_48, %get3A_49] : memref<1x128xf32, #tpu.memory_space<vmem>>, vector<1x128xf32>
    %broadcast_in_dim3A_51 = vector.shape_cast %get3A_50 : vector<1x128xf32> to vector<1x128xf32>
    %broadcast_in_dim3A_52 = vector.broadcast %broadcast_in_dim3A_51 : vector<1x128xf32> to vector<1024x128xf32>
    %broadcast_in_dim3A_53 = vector.shape_cast %reduce_sum3A_26 : vector<1024xf32> to vector<1024x1xf32>
    %get3A_54 = arith.constant 0 : index
    %get3A_55 = arith.constant 0 : index
    %get3A_56 = vector.load %arg1[%get3A_54, %get3A_55] : memref<8x128xf32, #tpu.memory_space<vmem>>, vector<1x128xf32>
    %get3A_57 = vector.shape_cast %get3A_56 : vector<1x128xf32> to vector<128xf32>
    %broadcast_in_dim3A_58 = vector.shape_cast %get3A_57 : vector<128xf32> to vector<1x128xf32>
    %mul3A_59 = vector.broadcast %broadcast_in_dim3A_53 : vector<1024x1xf32> to vector<1024x128xf32>
    %mul3A_60 = vector.broadcast %broadcast_in_dim3A_58 : vector<1x128xf32> to vector<1024x128xf32>
    %mul3A_61 = arith.mulf %mul3A_59, %mul3A_60 : vector<1024x128xf32>
    %add3A_62 = arith.addf %broadcast_in_dim3A_52, %mul3A_61 : vector<1024x128xf32>
    %broadcast_in_dim3A_63 = vector.shape_cast %reduce_sum3A_29 : vector<1024xf32> to vector<1024x1xf32>
    %get3A_64 = arith.constant 1 : index
    %get3A_65 = arith.constant 0 : index
    %get3A_66 = vector.load %arg1[%get3A_64, %get3A_65] : memref<8x128xf32, #tpu.memory_space<vmem>>, vector<1x128xf32>
    %get3A_67 = vector.shape_cast %get3A_66 : vector<1x128xf32> to vector<128xf32>
    %broadcast_in_dim3A_68 = vector.shape_cast %get3A_67 : vector<128xf32> to vector<1x128xf32>
    %mul3A_69 = vector.broadcast %broadcast_in_dim3A_63 : vector<1024x1xf32> to vector<1024x128xf32>
    %mul3A_70 = vector.broadcast %broadcast_in_dim3A_68 : vector<1x128xf32> to vector<1024x128xf32>
    %mul3A_71 = arith.mulf %mul3A_69, %mul3A_70 : vector<1024x128xf32>
    %add3A_72 = arith.addf %add3A_62, %mul3A_71 : vector<1024x128xf32>
    %broadcast_in_dim3A_73 = vector.shape_cast %reduce_sum3A_32 : vector<1024xf32> to vector<1024x1xf32>
    %get3A_74 = arith.constant 2 : index
    %get3A_75 = arith.constant 0 : index
    %get3A_76 = vector.load %arg1[%get3A_74, %get3A_75] : memref<8x128xf32, #tpu.memory_space<vmem>>, vector<1x128xf32>
    %get3A_77 = vector.shape_cast %get3A_76 : vector<1x128xf32> to vector<128xf32>
    %broadcast_in_dim3A_78 = vector.shape_cast %get3A_77 : vector<128xf32> to vector<1x128xf32>
    %mul3A_79 = vector.broadcast %broadcast_in_dim3A_73 : vector<1024x1xf32> to vector<1024x128xf32>
    %mul3A_80 = vector.broadcast %broadcast_in_dim3A_78 : vector<1x128xf32> to vector<1024x128xf32>
    %mul3A_81 = arith.mulf %mul3A_79, %mul3A_80 : vector<1024x128xf32>
    %add3A_82 = arith.addf %add3A_72, %mul3A_81 : vector<1024x128xf32>
    %broadcast_in_dim3A_83 = vector.shape_cast %reduce_sum3A_35 : vector<1024xf32> to vector<1024x1xf32>
    %get3A_84 = arith.constant 3 : index
    %get3A_85 = arith.constant 0 : index
    %get3A_86 = vector.load %arg1[%get3A_84, %get3A_85] : memref<8x128xf32, #tpu.memory_space<vmem>>, vector<1x128xf32>
    %get3A_87 = vector.shape_cast %get3A_86 : vector<1x128xf32> to vector<128xf32>
    %broadcast_in_dim3A_88 = vector.shape_cast %get3A_87 : vector<128xf32> to vector<1x128xf32>
    %mul3A_89 = vector.broadcast %broadcast_in_dim3A_83 : vector<1024x1xf32> to vector<1024x128xf32>
    %mul3A_90 = vector.broadcast %broadcast_in_dim3A_88 : vector<1x128xf32> to vector<1024x128xf32>
    %mul3A_91 = arith.mulf %mul3A_89, %mul3A_90 : vector<1024x128xf32>
    %add3A_92 = arith.addf %add3A_82, %mul3A_91 : vector<1024x128xf32>
    %broadcast_in_dim3A_93 = vector.shape_cast %reduce_sum3A_38 : vector<1024xf32> to vector<1024x1xf32>
    %get3A_94 = arith.constant 4 : index
    %get3A_95 = arith.constant 0 : index
    %get3A_96 = vector.load %arg1[%get3A_94, %get3A_95] : memref<8x128xf32, #tpu.memory_space<vmem>>, vector<1x128xf32>
    %get3A_97 = vector.shape_cast %get3A_96 : vector<1x128xf32> to vector<128xf32>
    %broadcast_in_dim3A_98 = vector.shape_cast %get3A_97 : vector<128xf32> to vector<1x128xf32>
    %mul3A_99 = vector.broadcast %broadcast_in_dim3A_93 : vector<1024x1xf32> to vector<1024x128xf32>
    %mul3A_100 = vector.broadcast %broadcast_in_dim3A_98 : vector<1x128xf32> to vector<1024x128xf32>
    %mul3A_101 = arith.mulf %mul3A_99, %mul3A_100 : vector<1024x128xf32>
    %add3A_102 = arith.addf %add3A_92, %mul3A_101 : vector<1024x128xf32>
    %broadcast_in_dim3A_103 = vector.shape_cast %reduce_sum3A_41 : vector<1024xf32> to vector<1024x1xf32>
    %get3A_104 = arith.constant 5 : index
    %get3A_105 = arith.constant 0 : index
    %get3A_106 = vector.load %arg1[%get3A_104, %get3A_105] : memref<8x128xf32, #tpu.memory_space<vmem>>, vector<1x128xf32>
    %get3A_107 = vector.shape_cast %get3A_106 : vector<1x128xf32> to vector<128xf32>
    %broadcast_in_dim3A_108 = vector.shape_cast %get3A_107 : vector<128xf32> to vector<1x128xf32>
    %mul3A_109 = vector.broadcast %broadcast_in_dim3A_103 : vector<1024x1xf32> to vector<1024x128xf32>
    %mul3A_110 = vector.broadcast %broadcast_in_dim3A_108 : vector<1x128xf32> to vector<1024x128xf32>
    %mul3A_111 = arith.mulf %mul3A_109, %mul3A_110 : vector<1024x128xf32>
    %add3A_112 = arith.addf %add3A_102, %mul3A_111 : vector<1024x128xf32>
    %broadcast_in_dim3A_113 = vector.shape_cast %reduce_sum3A_44 : vector<1024xf32> to vector<1024x1xf32>
    %get3A_114 = arith.constant 6 : index
    %get3A_115 = arith.constant 0 : index
    %get3A_116 = vector.load %arg1[%get3A_114, %get3A_115] : memref<8x128xf32, #tpu.memory_space<vmem>>, vector<1x128xf32>
    %get3A_117 = vector.shape_cast %get3A_116 : vector<1x128xf32> to vector<128xf32>
    %broadcast_in_dim3A_118 = vector.shape_cast %get3A_117 : vector<128xf32> to vector<1x128xf32>
    %mul3A_119 = vector.broadcast %broadcast_in_dim3A_113 : vector<1024x1xf32> to vector<1024x128xf32>
    %mul3A_120 = vector.broadcast %broadcast_in_dim3A_118 : vector<1x128xf32> to vector<1024x128xf32>
    %mul3A_121 = arith.mulf %mul3A_119, %mul3A_120 : vector<1024x128xf32>
    %add3A_122 = arith.addf %add3A_112, %mul3A_121 : vector<1024x128xf32>
    %broadcast_in_dim3A_123 = vector.shape_cast %reduce_sum3A_47 : vector<1024xf32> to vector<1024x1xf32>
    %get3A_124 = arith.constant 7 : index
    %get3A_125 = arith.constant 0 : index
    %get3A_126 = vector.load %arg1[%get3A_124, %get3A_125] : memref<8x128xf32, #tpu.memory_space<vmem>>, vector<1x128xf32>
    %get3A_127 = vector.shape_cast %get3A_126 : vector<1x128xf32> to vector<128xf32>
    %broadcast_in_dim3A_128 = vector.shape_cast %get3A_127 : vector<128xf32> to vector<1x128xf32>
    %mul3A_129 = vector.broadcast %broadcast_in_dim3A_123 : vector<1024x1xf32> to vector<1024x128xf32>
    %mul3A_130 = vector.broadcast %broadcast_in_dim3A_128 : vector<1x128xf32> to vector<1024x128xf32>
    %mul3A_131 = arith.mulf %mul3A_129, %mul3A_130 : vector<1024x128xf32>
    %add3A_132 = arith.addf %add3A_122, %mul3A_131 : vector<1024x128xf32>
    %swap3A = arith.constant 0 : index
    %swap3A_133 = arith.constant 0 : index
    %swap3A_134 = vector.load %arg3[%swap3A, %swap3A_133] : memref<1024x128xf32, #tpu.memory_space<vmem>>, vector<1024x128xf32>
    tpu.vector_store %arg3[%swap3A, %swap3A_133], %add3A_132 {strides = array<i32>} : memref<1024x128xf32, #tpu.memory_space<vmem>>, vector<1024x128xf32>,
    return
  }
}

</mosaic_0001>

<sc_bundles>
// kernel: kernel.4.cloned.1.call-start
scs
__scs_entry_jumppad:
0x0: {  	(pc) =	sbr.rel $0x88, $3  }
0x1: {  	(tag) =	ssettag $0x0;
	lr =	simm.s32 $0x1  }
0x2: {  	[smem:$0x3F9D] =	sst lr;
	_ =	strace $0xD0000000  }
0x3: {  	_ = 	snop  }
0x4: {  	_ = 	snop  }
0x5: {  	_ = 	snop  }
0x6: {  	_ = 	snop  }
0x7: {  	_ = 	snop  }
__scs_overlays_trampoline_lowered:
0x8: {  	[smem:$0x3FAC] =	sst s0  }
0x9: {  	[smem:$0x3FAD] =	sst s1  }
0xa: {  	[smem:$0x3FAE] =	sst s2  }
0xb: {  	[smem:$0x3FAF] =	sst s3  }
0xc: {  	[smem:$0x3FB0] =	sst s4  }
0xd: {  	[smem:$0x3FB1] =	sst s5  }
0xe: {  	[smem:$0x3FB2] =	sst s6  }
0xf: {  	[smem:$0x3FB3] =	sst s7  }
0x10: {  	[smem:$0x3FB4] =	sst s8  }
0x11: {  	[smem:$0x3FB5] =	sst s9;
	s0 =	simm.s32 @!p0 $0x0  }
0x12: {  	s1 =	sld [smem:$0x3F9B];
	s0 =	simm.s32 @p0 $0x1  }
0x13: {  	[smem:$0x3FB6] =	sst s0;
	s0 =	simm.s32 @!p1 $0x0  }
0x14: {  	s2 =	sld [smem:$0x3F9A];
	s0 =	simm.s32 @p1 $0x1  }
0x15: {  	[smem:$0x3FB7] =	sst s0;
	s0 =	simm.s32 @!p2 $0x0  }
0x16: {  	s3 =	sld [smem:$0x3FDB];
	s0 =	simm.s32 @p2 $0x1  }
0x17: {  	s4 =	simm.s32 $0x1BF5;
	[smem:$0x3FB9] =	sst s0  }
0x18: {  	s0 =	sld [smem:$0x3F9C];
	_ =	swait.ge [sflag:s4], $0x0  }
0x19: {  	s7 =	sld [smem:$0x3F9D]  }
0x1a: {  	s8 =	sadd.s32 $0xFFFFE003, lr  }
0x1b: {  	s9 =	sadd.s32 $0xFFFFFEF7, lr;
	s5 =	simm.s32 $0xFFFFFFFF;
	p2 =	slt.u32 s8, $0xFFFFF086  }
0x1c: {  	p1 =	slt.u32 s9, $0xF7A;
	s5 =	simm.s32 @!p2 $0x0  }
0x1d: {  	s5 =	simm.s32 @p1 $0x1;
	p0 =	seq.s32 s7, s2  }
0x1e: {  	s7 =	smul.u32 @!p0 $0xF7A, s2;
	p2 =	seq.s32 @!p0 s5, $0x0  }
0x1f: {  	s9 =	smul.u32 $0xF7A, s1;
	s8 =	simm.s32 @!p0 $0x1BF5;
	p2 =	por !p2, p0  }
0x20: {  	[sflag:s8] =	ssyncset.s32 @!p0 $0xFFFFF086;
	s6 =	sadd.s32 @!p0 s3, s7;
	s7 =	simm.s32 @!p0 $0x108  }
0x21: {  	s3 =	sadd.s32 s3, s9;
	s6 =	sadd.s32 @!p0 $0x88, s6;
	s7 =	simm.s32 @p2 $0x1082  }
0x22: {  	[simem:s7], [sflag:s8] =	dma.local @!p0 [hbm:s6], $0xF7A  }
0x23: {  	s9 =	sor.u32 $0xD0000000, s2;
	s6 =	simm.s32 $0x108;
	_ =	swait.ge @!p0 [sflag:s8], $0x0  }
0x24: {  	s3 =	sadd.s32 $0x88, s3;
	s6 =	simm.s32 @!p1 $0x1082;
	[sflag:s4] =	ssyncset.s32 $0xFFFFF086  }
0x25: {  	[simem:s6], [sflag:s4] =	dma.local [hbm:s3], $0xF7A  }
0x26: {  	[smem:$0x3F9D] =	sst s1;
	(tag) =	ssettag s2;
	_ =	strace s9  }
0x27: {  	s1 =	sld [smem:$0x3FAD]  }
0x28: {  	s2 =	sld [smem:$0x3FAE]  }
0x29: {  	s4 =	sld [smem:$0x3FB0]  }
0x2a: {  	p0 =	seq.s32 s5, $0x0;
	s5 =	sld [smem:$0x3FB1]  }
0x2b: {  	s6 =	sld [smem:$0x3FB2]  }
0x2c: {  	s7 =	sld [smem:$0x3FB3]  }
0x2d: {  	s3 =	simm.s32 $0x108;
	s8 =	sld [smem:$0x3FB4]  }
0x2e: {  	s3 =	simm.s32 @!p0 $0x1082;
	s9 =	sld [smem:$0x3FB5]  }
0x2f: {  	lr =	sadd.s32 s0, s3;
	s0 =	sld [smem:$0x3FAC]  }
0x30: {  	s3 =	sld [smem:$0x3FAF]  }
0x31: {  	[smem:$0x3FB8] =	sst s10  }
0x32: {  	s10 =	sld [smem:$0x3FB6];
	_ =	sdelay $0x3  }
0x33: {  	p0 =	seq.s32 s10, $0x1;
	s10 =	sld [smem:$0x3FB8];
	_ =	sdelay $0x3  }
0x34: {  	[smem:$0x3FB8] =	sst s10  }
0x35: {  	s10 =	sld [smem:$0x3FB7];
	_ =	sdelay $0x3  }
0x36: {  	p1 =	seq.s32 s10, $0x1;
	s10 =	sld [smem:$0x3FB8];
	_ =	sdelay $0x3  }
0x37: {  	[smem:$0x3FB8] =	sst s10  }
0x38: {  	s10 =	sld [smem:$0x3FB9]  }
0x39: {  	_ = 	snop;
	(pc) =	sbr.ind lr, $3  }
0x3a: {  	_ = 	snop  }
0x3b: {  	_ = 	snop  }
0x3c: {  	p2 =	seq.s32 s10, $0x1;
	s10 =	sld [smem:$0x3FB8]  }
0x3d: {  	_ =	shalt  }
0x3e: {  	_ =	shalt  }
0x3f: {  	_ =	shalt  }
0x40: {  	_ =	shalt  }
0x41: {  	_ =	shalt  }
0x42: {  	_ =	shalt  }
0x43: {  	_ =	shalt  }
0x44: {  	_ =	shalt  }
0x45: {  	_ =	shalt  }
0x46: {  	_ =	shalt  }
0x47: {  	_ =	shalt  }
0x48: {  	_ =	shalt  }
0x49: {  	_ =	shalt  }
0x4a: {  	_ =	shalt  }
0x4b: {  	_ =	shalt  }
0x4c: {  	_ =	shalt  }
0x4d: {  	_ =	shalt  }
0x4e: {  	_ =	shalt  }
0x4f: {  	_ =	shalt  }
0x50: {  	_ =	shalt  }
0x51: {  	_ =	shalt  }
0x52: {  	_ =	shalt  }
0x53: {  	_ =	shalt  }
0x54: {  	_ =	shalt  }
0x55: {  	_ =	shalt  }
0x56: {  	_ =	shalt  }
0x57: {  	_ =	shalt  }
0x58: {  	_ =	shalt  }
0x59: {  	_ =	shalt  }
0x5a: {  	_ =	shalt  }
0x5b: {  	_ =	shalt  }
0x5c: {  	_ =	shalt  }
0x5d: {  	_ =	shalt  }
0x5e: {  	_ =	shalt  }
0x5f: {  	_ =	shalt  }
0x60: {  	_ =	shalt  }
0x61: {  	_ =	shalt  }
0x62: {  	_ =	shalt  }
0x63: {  	_ =	shalt  }
0x64: {  	_ =	shalt  }
0x65: {  	_ =	shalt  }
0x66: {  	_ =	shalt  }
0x67: {  	_ =	shalt  }
0x68: {  	_ =	shalt  }
0x69: {  	_ =	shalt  }
0x6a: {  	_ =	shalt  }
0x6b: {  	_ =	shalt  }
0x6c: {  	_ =	shalt  }
0x6d: {  	_ =	shalt  }
0x6e: {  	_ =	shalt  }
0x6f: {  	_ =	shalt  }
0x70: {  	_ =	shalt  }
0x71: {  	_ =	shalt  }
0x72: {  	_ =	shalt  }
0x73: {  	_ =	shalt  }
0x74: {  	_ =	shalt  }
0x75: {  	_ =	shalt  }
0x76: {  	_ =	shalt  }
0x77: {  	_ =	shalt  }
0x78: {  	_ =	shalt  }
0x79: {  	_ =	shalt  }
0x7a: {  	_ =	shalt  }
0x7b: {  	_ =	shalt  }
0x7c: {  	_ =	shalt  }
0x7d: {  	_ =	shalt  }
0x7e: {  	_ =	shalt  }
0x7f: {  	_ =	shalt  }
0x80: {  	_ =	shalt  }
0x81: {  	_ =	shalt  }
0x82: {  	_ =	shalt  }
0x83: {  	_ =	shalt  }
0x84: {  	_ =	shalt  }
0x85: {  	_ =	shalt  }
0x86: {  	_ =	shalt  }
0x87: {  	_ =	shalt  }
.Lfunc_end0:
.L_simem_size_0:
called_computation_lowered:
.L_overlay_start_0:
0x88: {  	s2 =	sld [smem:$0x3FD9]  }
0x89: {  	s3 =	sld [smem:$0x3FFE];
	_ =	sdelay $0x1  }
0x8a: {  	s1 =	srdreg.scid  }
0x8b: {  	s0 =	sand.u32 $0x1, s1  }
0x8c: {  	s17 =	sshll.u32 s0, $0xA;
	s2 =	sadd.s32 s3, s2  }
0x8d: {  	s2 =	sadd.s32 s2, s17  }
0x8e: {  	[smem:$0x3FC4] =	sst s2  }
0x8f: {  	_ = 	snop  }
0x90: {  	s2 =	sld [smem:$0x3FC9]  }
0x91: {  	s18 =	sld [smem:$0x3FC8]  }
0x92: {  	s4 =	sld [smem:$0x3FD0];
	(tm) =	ssettm $0x1  }
0x93: {  	s5 =	sld [smem:$0x3FFB];
	_ =	sdelay $0x3  }
0x94: {  	_ =	strace s5  }
0x95: {  	s5 =	sld [smem:$0x3FFC];
	_ =	sdelay $0x3  }
0x96: {  	_ =	strace s5  }
0x97: {  	s5 =	sld [smem:$0x3FFD];
	_ =	sdelay $0x3  }
0x98: {  	_ =	strace s5  }
0x99: {  	_ =	strace $0x8FFFFFFF  }
0x9a: {  	s19 =	sld [smem:$0x3FDB];
	_ =	sdelay $0x1  }
0x9b: {  	s6 =	simm.s32 $_scs_section_size  }
0x9c: {  	s7 =	simm.s32 $_size__tile_overlayer_lowered;
	s8 =	simm.s32 $_tile_overlayer_lowered  }
0x9d: {  	s22 =	simm.s32 $0x1BFF;
	s21 =	sshll.u32 s8, $0x1;
	s5 =	sadd.s32 s6, s19  }
0x9e: {  	s9 =	simm.s32 $0x0;
	s20 =	sshll.u32 s7, $0x1;
	s7 =	sadd.s32 s21, s5  }
0x9f: {  	[timem:s9], [sflag:s22] =	dma.local [hbm:s7], s20  }
0xa0: {  	_ =	swait.ge [sflag:s22], s20  }
0xa1: {  	s6 =	ssub.s32 $0x0, s20;
	[sflag:s22] =	ssyncset.done $0x0  }
0xa2: {  	[sflag:s22] =	ssyncadd.s32 s6;
	_ =	sdelay $0x1  }
0xa3: {  	s23 =	simm.s32 $0x1B8B  }
0xa4: {  	_ =	swait.ge [sflag:s23], $0x1  }
0xa5: {  	[sflag:s23] =	ssyncset.done $0x0  }
0xa6: {  	s25 =	simm.s32 $0x1B8E;
	s24 =	sld [smem:$0x3FFE];
	[sflag:s23] =	ssyncadd.s32 $0xFFFFFFFF  }
0xa7: {  	s26 =	simm.s32 $execute0_lowered;
	[smem:$0x3FD2] =	sst s25  }
0xa8: {  	s7 =	sshll.u32 s26, $0x1;
	_ =	strace $0x80000046;
	[dreg:$0x1] =	wrdreg $0xFFFFFFFF  }
0xa9: {  	s28 =	simm.s32 $_size_execute0_lowered;
	s5 =	sadd.s32 s5, s7;
	[dreg:$0x0] =	wrdreg $0x0  }
0xaa: {  	s7 =	sshll.u32 s28, $0x1;
	[dreg:$0x2] =	wrdreg s5  }
0xab: {  	[dreg:$0x3] =	wrdreg s7  }
0xac: {  	[dreg:$0x4] =	wrdreg $0xC0  }
0xad: {  	_ =	task [dreg:s9], $0x5FFFF  }
0xae: {  	[dreg:$0x1] =	wrdreg $0xFFFFFFFF  }
0xaf: {  	[dreg:$0x0] =	wrdreg $0x60  }
0xb0: {  	[dreg:$0x2] =	wrdreg s2  }
0xb1: {  	[dreg:$0x3] =	wrdreg s18  }
0xb2: {  	[dreg:$0x4] =	wrdreg s4  }
0xb3: {  	[dreg:$0x5] =	wrdreg s24  }
0xb4: {  	[dreg:$0x6] =	wrdreg $0x9  }
0xb5: {  	_ =	task.clear_ibuf [dreg:s9], $0x7FFFF;
	_ =	strace $0x90000046  }
0xb6: {  	s29 =	simm.s32 $0x9;
	_ =	strace $0x80000048  }
0xb7: {  	_ =	swait.ge [sflag:s29], $0x1  }
0xb8: {  	[sflag:s29] =	ssyncadd.s32 $0xFFFFFFFF  }
0xb9: {  	_ =	strace $0x90000048  }
0xba: {  	_ =	sfence  }
0xbb: {  	s30 =	sld [smem:$0x0];
	_ =	sdelay $0x2  }
0xbc: {  	s31 =	sshll.u32 s1, $0xD;
	s1 =	sshrl.u32 s1, $0x2  }
0xbd: {  	s3 =	sand.u32 $0x4000, s31;
	s1 =	sadd.s32 s1, s30  }
0xbe: {  	s0 =	sor.u32 s3, s0;
	s1 =	sshll.u32 s1, $0x11  }
0xbf: {  	s0 =	sor.u32 s1, s0  }
0xc0: {  	s0 =	sadd.s32 $0x8F2B, s0  }
0xc1: {  	[sflag:s0] =	ssyncadd.remote.s32 $0x1  }
0xc2: {  	_ =	sfence.sel $0xFFFF  }
0xc3: {  	[dreg:$0x0] =	wrdreg $0xFFFFFFFF;
	(pc) =	sbr.abs _section_cstart, $3  }
0xc4: {  	[dreg:$0x1] =	wrdreg $0xFFFFFFFF  }
0xc5: {  	_ =	task.clear_ibuf [dreg:s9], $0x2FFFF;
	_ =	strace $0x9FFFFFFF  }
0xc6: {  	(tm) =	ssettm $0x7FFFFFFF  }
0xc7: {  	_ =	shalt  }
tec
execute0_lowered:
.L_overlay_start_1:
0x0: {  	(tag) =	ssettag $0x1  }
0x1: {  	s4 =	rddreg [dreg:$0x0]  }
0x2: {  	s5 =	rddreg [dreg:$0x1]  }
0x3: {  	s2 =	rddreg [dreg:$0x2]  }
0x4: {  	s6 =	rddreg [dreg:$0x3]  }
0x5: {  	s0 =	rddreg [dreg:$0x4]  }
0x6: {  	s3 =	simm.s32 $0x0;
	s1 =	stileid.u32;
	s7 =	srdreg.scid  }
0x7: {  	s11 =	simm.s32 $0x2;
	s12 =	simm.s32 $0x3;
	s13 =	simm.s32 $0x4  }
0x8: {  	s14 =	simm.s32 $0x0;
	[smem:$0x7FF] =	sst s3;
	s7 =	sand.u32 $0x1, s7  }
0x9: {  	s8 =	sshll.u32 s1, $0x6;
	s9 =	sshll.u32 s1, $0xD;
	s10 =	ssub.s32 $0x2, s7  }
0xa: {  	v0 =	vmov s8;
	s8 =	sadd.s32 $0x40, s8;
	_ =	strace $0x80000047;
	s6 =	sadd.s32 s9, s6  }
0xb: {  	vm0 =	vmmov $0x1;
	v2 =	vimm.f32 $1.000000000e+00;
	s31 =	sshll.u32 s7, $0x9;
	s7 =	sshll.u32 s7, $0x11;
	s9 =	simm.s32 $0x2000  }
0xc: {  	vm8 =	vcmask $0x2320;
	vm9 =	vcmask $0x2724;
	vm10 =	vcmask $0x2B28;
	s29 =	sshrl.u32 s10, $0x1;
	s4 =	sadd.s32 s4, s31;
	s5 =	sadd.s32 s5, s31  }
0xd: {  	vm11 =	vcmask $0x2F2C;
	vm12 =	vcmask $0x3330;
	v1 =	vmov s8;
	s6 =	sadd.s32 s7, s6;
	s8 =	simm.s32 $0x1000;
	s30 =	ssub.s32 s10, s29  }
0xe: {  	vm13 =	vcmask $0x3734;
	vm14 =	vcmask $0x3B38;
	vm15 =	vcmask $0x3F3C;
	s6 =	sadd.s32 $0xA00, s6;
	s10 =	simm.s32 $0x1;
	s7 =	smax.u32 s30, $0x1  }
.LBB2_1:
0xf: {  	[tilespmem:s3], [sflag:$0x1] =	stream.linear.gather [hbm4b:s4+s3], $0x1000, $0x38;
	[tilespmem:$0x12000] =	vst v63  }
0x10: {  	_ = 	snop  }
0x11: {  	[tilespmem:s8], [sflag:$0x2] =	stream.linear.gather [hbm4b:s5+s3], $0x1000, $0x38;
	[tilespmem:$0x12000] =	vst v63  }
0x12: {  	_ = 	snop  }
0x13: {  	[tilespmem:s9], [sflag:$0x3] =	stream.linear.gather [hbm4b:s2+s3], $0x10000, $0x38;
	[tilespmem:$0x12000] =	vst v63  }
0x14: {  	_ =	swait.ge [sflag:s10], $0x1000  }
0x15: {  	[sflag:s10] =	ssyncset.done $0x0  }
0x16: {  	[sflag:s10] =	ssyncadd.s32 $0xFFFFF000  }
0x17: {  	_ =	swait.ge [sflag:s11], $0x1000  }
0x18: {  	[sflag:s11] =	ssyncset.done $0x0  }
0x19: {  	[sflag:s11] =	ssyncadd.s32 $0xFFFFF000  }
0x1a: {  	_ =	swait.ge [sflag:s12], $0x10000  }
0x1b: {  	[sflag:s12] =	ssyncset.done $0x0  }
0x1c: {  	s15 =	simm.s32 $0x0;
	[sflag:s12] =	ssyncadd.s32 $0xFFFF0000  }
0x1d: {  	v3 =	vld [tilespmem:s15+$0x1000]  }
0x1e: {  	v4 =	vld [tilespmem:s15+$0x0];
	_ =	sdelay $0x3  }
0x1f: {  	vm2 =	vge.s32 v3, v0;
	v5 =	vsub.s32 v3, v0  }
0x20: {  	vm1 =	vlt.s32 v3, v1;
	v6 =	vshll.u32 v4, $0x3;
	v5 =	vshll.u32 v5, $0xA  }
0x21: {  	v3 =	vshll.u32 v3, $0x7;
	v6 =	vand.u32 $0xFFFFFC00, v6;
	v5 =	vand.u32 $0xFFFFE000, v5  }
0x22: {  	v4 =	vand.u32 $0x7F, v4;
	v3 =	vand.u32 $0x380, v3;
	v5 =	vadd.s32 v6, v5  }
0x23: {  	vm1 =	vmand vm2, vm1;
	vm2 =	vcmask $0x704;
	v3 =	vor.u32 v3, v5  }
0x24: {  	vm2 =	vmand vm1, vm2;
	v3 =	vor.u32 v4, v3;
	v4 =	vimm.s32 $0x0  }
0x25: {  	v4 =	vsel vm2, $0xFFFFFFFF, v4  }
0x26: {  	vm4 =	vmand vm1, vm0;
	[tilespmem:$0x1FFF0] =	vst v4  }
0x27: {  	vm2 =	vcmask $0xB08;
	v4 =	vld [tilespmem:$0x1FFF0]  }
0x28: {  	vm5 =	vmand vm1, vm2;
	vm2 =	vcmask $0xF0C  }
0x29: {  	vm6 =	vmand vm1, vm2;
	vm2 =	vcmask $0x1310  }
0x2a: {  	vm7 =	vmand vm1, vm2;
	vm2 =	vcmask $0x1714  }
0x2b: {  	vm3 =	vmand vm1, vm2;
	vm2 =	vcmask $0x1B18  }
0x2c: {  	[tilespmem:v3+s9+$0x0] =	vst.idx.add.f32.msk vm4, v2;
	vm4 =	vmand vm1, vm2;
	vm2 =	vnez.u8 v4;
	_ =	sdelay $0x5  }
0x2d: {  	[tilespmem:v3+s9+$0x0] =	vst.idx.add.f32.msk vm2, v2;
	vm2 =	vcmask $0x1F1C  }
0x2e: {  	vm2 =	vmand vm1, vm2  }
0x2f: {  	[tilespmem:v3+s9+$0x0] =	vst.idx.add.f32.msk vm5, v2;
	vm5 =	vmand vm1, vm8  }
0x30: {  	[tilespmem:v3+s9+$0x0] =	vst.idx.add.f32.msk vm6, v2;
	vm6 =	vmand vm1, vm9  }
0x31: {  	[tilespmem:v3+s9+$0x0] =	vst.idx.add.f32.msk vm7, v2;
	vm7 =	vmand vm1, vm10  }
0x32: {  	[tilespmem:v3+s9+$0x0] =	vst.idx.add.f32.msk vm3, v2;
	vm3 =	vmand vm1, vm11  }
0x33: {  	[tilespmem:v3+s9+$0x0] =	vst.idx.add.f32.msk vm4, v2;
	vm4 =	vmand vm1, vm12  }
0x34: {  	[tilespmem:v3+s9+$0x0] =	vst.idx.add.f32.msk vm2, v2;
	vm2 =	vmand vm1, vm13  }
0x35: {  	[tilespmem:v3+s9+$0x0] =	vst.idx.add.f32.msk vm5, v2;
	vm5 =	vmand vm1, vm14  }
0x36: {  	[tilespmem:v3+s9+$0x0] =	vst.idx.add.f32.msk vm6, v2  }
0x37: {  	vm1 =	vmand vm1, vm15;
	[tilespmem:v3+s9+$0x0] =	vst.idx.add.f32.msk vm7, v2  }
0x38: {  	[tilespmem:v3+s9+$0x0] =	vst.idx.add.f32.msk vm3, v2  }
0x39: {  	[tilespmem:v3+s9+$0x0] =	vst.idx.add.f32.msk vm4, v2  }
0x3a: {  	[tilespmem:v3+s9+$0x0] =	vst.idx.add.f32.msk vm2, v2  }
0x3b: {  	s16 =	simm.s32 $0x80;
	s15 =	simm.s32 $0x40;
	[tilespmem:v3+s9+$0x0] =	vst.idx.add.f32.msk vm5, v2  }
.LBB2_2:
0x3c: {  	p0 =	sne.s32 s16, $0x3FC0  }
0x3d: {  	s17 =	sshra.s32 s15, $0x2;
	[tilespmem:v3+s9+$0x0] =	vst.idx.add.f32.msk vm1, v2;
	s15 =	smov.u32 s16;
	s16 =	sadd.s32 $0x40, s16  }
0x3e: {  	v3 =	vld [tilespmem:s17+$0x1000]  }
0x3f: {  	v4 =	vld [tilespmem:s17+$0x0];
	_ =	sdelay $0x3  }
0x40: {  	vm1 =	vge.s32 v3, v0;
	vm2 =	vlt.s32 v3, v1;
	v5 =	vsub.s32 v3, v0  }
0x41: {  	v3 =	vshll.u32 v3, $0x7;
	v5 =	vshll.u32 v5, $0xA;
	v6 =	vshll.u32 v4, $0x3  }
0x42: {  	vm1 =	vmand vm1, vm2;
	v5 =	vand.u32 $0xFFFFE000, v5;
	v6 =	vand.u32 $0xFFFFFC00, v6  }
0x43: {  	vm3 =	vcmask $0x704;
	v3 =	vand.u32 $0x380, v3;
	v5 =	vadd.s32 v6, v5  }
0x44: {  	v4 =	vand.u32 $0x7F, v4;
	vm2 =	vmand vm1, vm0;
	v3 =	vor.u32 v3, v5  }
0x45: {  	vm4 =	vcmask $0xB08;
	vm3 =	vmand vm1, vm3;
	v3 =	vor.u32 v4, v3  }
0x46: {  	vm5 =	vcmask $0xF0C;
	vm4 =	vmand vm1, vm4  }
0x47: {  	vm6 =	vcmask $0x1310;
	vm5 =	vmand vm1, vm5  }
0x48: {  	vm7 =	vcmask $0x1714;
	vm6 =	vmand vm1, vm6  }
0x49: {  	vm7 =	vmand vm1, vm7  }
0x4a: {  	[tilespmem:v3+s9+$0x0] =	vst.idx.add.f32.msk vm2, v2;
	vm2 =	vcmask $0x1B18  }
0x4b: {  	vm2 =	vmand vm1, vm2  }
0x4c: {  	[tilespmem:v3+s9+$0x0] =	vst.idx.add.f32.msk vm3, v2;
	vm3 =	vcmask $0x1F1C  }
0x4d: {  	vm3 =	vmand vm1, vm3  }
0x4e: {  	[tilespmem:v3+s9+$0x0] =	vst.idx.add.f32.msk vm4, v2;
	vm4 =	vmand vm1, vm8  }
0x4f: {  	[tilespmem:v3+s9+$0x0] =	vst.idx.add.f32.msk vm5, v2;
	vm5 =	vmand vm1, vm9  }
0x50: {  	[tilespmem:v3+s9+$0x0] =	vst.idx.add.f32.msk vm6, v2;
	vm6 =	vmand vm1, vm10  }
0x51: {  	[tilespmem:v3+s9+$0x0] =	vst.idx.add.f32.msk vm7, v2;
	vm7 =	vmand vm1, vm11  }
0x52: {  	[tilespmem:v3+s9+$0x0] =	vst.idx.add.f32.msk vm2, v2;
	vm2 =	vmand vm1, vm12  }
0x53: {  	[tilespmem:v3+s9+$0x0] =	vst.idx.add.f32.msk vm3, v2;
	vm3 =	vmand vm1, vm13  }
0x54: {  	[tilespmem:v3+s9+$0x0] =	vst.idx.add.f32.msk vm4, v2;
	vm4 =	vmand vm1, vm14  }
0x55: {  	vm1 =	vmand vm1, vm15;
	[tilespmem:v3+s9+$0x0] =	vst.idx.add.f32.msk vm5, v2  }
.Ltmp0:
0x56: {  	[tilespmem:v3+s9+$0x0] =	vst.idx.add.f32.msk vm6, v2;
	(pc) =	sbr.rel @p0 .LBB2_2-.Ltmp0, $4  }
0x57: {  	[tilespmem:v3+s9+$0x0] =	vst.idx.add.f32.msk vm7, v2  }
0x58: {  	[tilespmem:v3+s9+$0x0] =	vst.idx.add.f32.msk vm2, v2  }
0x59: {  	[tilespmem:v3+s9+$0x0] =	vst.idx.add.f32.msk vm3, v2  }
0x5a: {  	[tilespmem:v3+s9+$0x0] =	vst.idx.add.f32.msk vm4, v2  }
0x5b: {  	_ =	sdelay $0x4  }
0x5c: {  	s15 =	sshra.s32 s15, $0x2;
	[tilespmem:v3+s9+$0x0] =	vst.idx.add.f32.msk vm1, v2  }
0x5d: {  	v3 =	vld [tilespmem:s15+$0x1000]  }
0x5e: {  	v4 =	vld [tilespmem:s15+$0x0];
	_ =	sdelay $0x3  }
0x5f: {  	vm3 =	vcmask $0x704;
	vm1 =	vge.s32 v3, v0;
	v5 =	vsub.s32 v3, v0  }
0x60: {  	vm2 =	vlt.s32 v3, v1;
	v6 =	vshll.u32 v4, $0x3;
	v5 =	vshll.u32 v5, $0xA  }
0x61: {  	v3 =	vshll.u32 v3, $0x7;
	v6 =	vand.u32 $0xFFFFFC00, v6;
	v5 =	vand.u32 $0xFFFFE000, v5  }
0x62: {  	vm1 =	vmand vm1, vm2;
	v3 =	vand.u32 $0x380, v3;
	v5 =	vadd.s32 v6, v5  }
0x63: {  	v4 =	vand.u32 $0x7F, v4;
	vm2 =	vmand vm1, vm0;
	v3 =	vor.u32 v3, v5  }
0x64: {  	vm3 =	vmand vm1, vm3;
	v3 =	vor.u32 v4, v3  }
0x65: {  	vm4 =	vcmask $0xB08  }
0x66: {  	vm5 =	vcmask $0xF0C;
	vm4 =	vmand vm1, vm4  }
0x67: {  	vm6 =	vcmask $0x1310;
	vm5 =	vmand vm1, vm5  }
0x68: {  	vm7 =	vcmask $0x1714;
	vm6 =	vmand vm1, vm6  }
0x69: {  	vm7 =	vmand vm1, vm7;
	[tilespmem:v3+s9+$0x0] =	vst.idx.add.f32.msk vm2, v2;
	vm2 =	vcmask $0x1B18  }
0x6a: {  	vm2 =	vmand vm1, vm2;
	[tilespmem:v3+s9+$0x0] =	vst.idx.add.f32.msk vm3, v2;
	vm3 =	vcmask $0x1F1C  }
0x6b: {  	vm3 =	vmand vm1, vm3  }
0x6c: {  	[tilespmem:v3+s9+$0x0] =	vst.idx.add.f32.msk vm4, v2;
	vm4 =	vmand vm1, vm8  }
0x6d: {  	[tilespmem:v3+s9+$0x0] =	vst.idx.add.f32.msk vm5, v2;
	vm5 =	vmand vm1, vm9  }
0x6e: {  	[tilespmem:v3+s9+$0x0] =	vst.idx.add.f32.msk vm6, v2;
	vm6 =	vmand vm1, vm10  }
0x6f: {  	[tilespmem:v3+s9+$0x0] =	vst.idx.add.f32.msk vm7, v2;
	vm7 =	vmand vm1, vm11  }
0x70: {  	[tilespmem:v3+s9+$0x0] =	vst.idx.add.f32.msk vm2, v2;
	vm2 =	vmand vm1, vm12  }
0x71: {  	[tilespmem:v3+s9+$0x0] =	vst.idx.add.f32.msk vm3, v2;
	vm3 =	vmand vm1, vm13  }
0x72: {  	[tilespmem:v3+s9+$0x0] =	vst.idx.add.f32.msk vm4, v2;
	vm4 =	vmand vm1, vm14  }
0x73: {  	vm1 =	vmand vm1, vm15;
	[tilespmem:v3+s9+$0x0] =	vst.idx.add.f32.msk vm5, v2  }
0x74: {  	[tilespmem:v3+s9+$0x0] =	vst.idx.add.f32.msk vm6, v2  }
0x75: {  	[tilespmem:v3+s9+$0x0] =	vst.idx.add.f32.msk vm7, v2  }
0x76: {  	[tilespmem:v3+s9+$0x0] =	vst.idx.add.f32.msk vm2, v2  }
0x77: {  	s14 =	sadd.s32 $0x1, s14;
	[tilespmem:v3+s9+$0x0] =	vst.idx.add.f32.msk vm3, v2  }
0x78: {  	p0 =	sne.s32 s14, s7;
	[tilespmem:v3+s9+$0x0] =	vst.idx.add.f32.msk vm4, v2  }
.Ltmp1:
0x79: {  	[tilespmem:v3+s9+$0x0] =	vst.idx.add.f32.msk vm1, v2;
	(pc) =	sbr.rel @p0 .LBB2_1-.Ltmp1, $4  }
0x7a: {  	[hbm4b:s6+s3] =	stream.linear.scatter [tilespmem:s9], [sflag:$0x4], $0x10000, $0x38;
	[tilespmem:$0x12000] =	vst v63  }
0x7b: {  	_ =	swait.ge [sflag:s13], $0x10000  }
0x7c: {  	[sflag:s13] =	ssyncset.done $0x0  }
0x7d: {  	[sflag:s13] =	ssyncadd.s32 $0xFFFF0000  }
0x7e: {  	_ =	sfence.sel $0x180000  }
0x7f: {  	[bflag:$0x0] =	sbarrier.arrive $0xFFFF  }
0x80: {  	p0 =	sne.s32 s1, $0x0;
	_ =	strace $0x90000047  }
0x81: {  	s0 =	sadd.s32 @!p0 $0x100000, s0;
	[bflag:$0x2] =	sbarrier.arrive $0xFFFF  }
0x82: {  	[sflag:s0] =	ssyncadd.tile.s32 @!p0 $0x1;
	_ =	shalt  }
.Lfunc_end2:
_tile_overlayer_lowered:
.L_overlay_start_2:
0x83: {  	(tag) =	ssettag $0x2  }
0x84: {  	s0 =	rddreg [dreg:$0x0];
	s2 =	stileid.u32  }
0x85: {  	s1 =	rddreg [dreg:$0x1];
	p0 =	sne.s32 s2, $0x0  }
0x86: {  	s3 =	rddreg [dreg:$0x2];
	[bflag:$0x3] =	sbarrier.arrive $0xFFFF;
	s2 =	simm.s32 @!p0 $0x1C04  }
0x87: {  	[timem:s3], [sflag:s2] =	dma.local @!p0 [hbm:s0], s1  }
0x88: {  	s0 =	simm.s32 @!p0 $0x4  }
0x89: {  	_ =	swait.ge @!p0 [sflag:s0], s1  }
0x8a: {  	s1 =	ssub.s32 @!p0 $0x0, s1;
	[sflag:s0] =	ssyncset.done @!p0 $0x0  }
0x8b: {  	[sflag:s0] =	ssyncadd.s32 @!p0 s1  }
0x8c: {  	[bflag:$0x3] =	sbarrier.arrive $0xFFFF  }
0x8d: {  	_ =	shalt  }

</sc_bundles>
